<compile_context>
chip_gen: v7x
topology: tpu7x:2x2x1
jax: 0.10.2.dev20260603
libtpu: 0.0.44.dev20260713+nightly
codegen_flags: <defaults>
</compile_context>

<pallas_src>
import functools

import numpy as np
import jax
import jax.numpy as jnp
from jax import lax
from jax.experimental import pallas as pl
from jax.experimental.pallas import tpu as pltpu
from jax.experimental.pallas import tpu_sc as plsc

_KH, _KW, _SH, _SW = 3, 3, 2, 2


@functools.cache
def _build_gather(B, H, W, C, D):
    Hout = (H - _KH) // _SH + 1
    Wout = (W - _KW) // _SW + 1
    CD = C * D
    R = B * Hout * Wout * _KH * _KW

    bb = np.arange(B).reshape(B, 1, 1, 1, 1)
    hh = np.arange(Hout).reshape(1, Hout, 1, 1, 1)
    ww = np.arange(Wout).reshape(1, 1, Wout, 1, 1)
    kh = np.arange(_KH).reshape(1, 1, 1, _KH, 1)
    kw = np.arange(_KW).reshape(1, 1, 1, 1, _KW)
    idx = (bb * (H * W) + (_SH * hh + kh) * W + (_SW * ww + kw)).astype(np.int32)
    idx = idx.reshape(R)

    urows = 8
    for cand in range(8, 129, 8):
        if R % cand == 0 and cand * CD * 4 <= 200_000:
            urows = cand
    nunits = R // urows
    idx1 = jnp.asarray(idx)

    info = plsc.get_sparse_core_info()
    nc, ns = info.num_cores, info.num_subcores
    nw = nc * ns
    iters = -(-nunits // nw)

    mesh = plsc.VectorSubcoreMesh(core_axis_name="c", subcore_axis_name="s")

    @functools.partial(
        pl.kernel,
        mesh=mesh,
        out_type=jax.ShapeDtypeStruct((R, CD), jnp.float32),
        scratch_types=[
            pltpu.VMEM((urows,), jnp.int32),
            pltpu.VMEM((urows, CD), jnp.float32),
            pltpu.SemaphoreType.DMA,
        ],
    )
    def gather_kernel(x_hbm, idx_hbm, out_hbm, idx_v, rows_v, sem):
        wid = lax.axis_index("s") * nc + lax.axis_index("c")

        def body(i, carry):
            u = i * nw + wid

            @pl.when(u < nunits)
            def _():
                pltpu.sync_copy(idx_hbm.at[pl.ds(u * urows, urows)], idx_v)
                pltpu.async_copy(x_hbm.at[idx_v], rows_v, sem).wait()
                pltpu.sync_copy(rows_v, out_hbm.at[pl.ds(u * urows, urows)])

            return carry

        lax.fori_loop(0, iters, body, 0)

    def run(inputs):
        x2 = inputs.reshape(B * H * W, CD)
        out = gather_kernel(x2, idx1)
        return out.reshape(-1, Hout * _KH * _KW * C, D), Hout

    return run


def kernel(inputs):
    B, H, W, C, D = inputs.shape
    return _build_gather(B, H, W, C, D)(inputs)

# --- scband reference (transcript-rebuilt; emitter-appended) ---
"""Pipeline reference for scband-conv-capsules-33225867002119 (READ-ONLY COPY).

The authoritative reference and input builder live on the scoring server;
editing this copy changes nothing except your own understanding.
"""

import jax, jax.numpy as jnp
import numpy as np

KH, KW, KC = 3, 3, 32
STRIDES = (1, 2, 2, 1)

def setup_inputs(seed: int = 0) -> dict:
    key = jax.random.key(seed)
    inputs = jax.random.normal(key, (8, 64, 64, 32, 16), dtype=jnp.float32)
    return {"inputs": inputs}

def reference(inputs):
    B, H, W, C, D = inputs.shape
    hk_offsets = np.array([[h + k for k in range(KH)] for h in range(0, H + 1 - KH, STRIDES[1])], dtype=np.int32)
    wk_offsets = np.array([[w + k for k in range(KW)] for w in range(0, W + 1 - KW, STRIDES[2])], dtype=np.int32)
    # gather along height: [B, Hout, KH, W, C, D]
    x = jnp.take(inputs, jnp.asarray(hk_offsets), axis=1)
    # gather along width (axis 3 after first gather): [B, Hout, KH, Wout, KW, C, D]
    x = jnp.take(x, jnp.asarray(wk_offsets), axis=3)
    # transpose to [B, Hout, Wout, KH, KW, C, D]
    x = jnp.transpose(x, (0, 1, 3, 2, 4, 5, 6))
    h_out = hk_offsets.shape[0]
    out = jnp.reshape(x, (-1, h_out * KH * KW * KC, D))
    return (out, h_out)

if __name__ == "__main__":
    import jax
    _d = setup_inputs()
    print(jax.jit(kernel)(*tuple(_d.values())))

</pallas_src>

<mosaic_0001>
#map = affine_map<(d0, d1) -> (0, 0)>
#map1 = affine_map<(d0, d1) -> (0)>
module attributes {stable_mosaic.version = 14 : i64} {
  func.func @gather_kernel(%arg0: i32, %arg1: i32, %arg2: memref<32768x512xf32, #tpu.memory_space<hbm>>, %arg3: memref<69192xi32, #tpu.memory_space<hbm>>, %arg4: memref<69192x512xf32, #tpu.memory_space<hbm>>, %arg5: memref<72xi32, #tpu.memory_space<vmem>>, %arg6: memref<72x512xf32, #tpu.memory_space<vmem>>, %arg7: memref<!tpu.dma_semaphore, #tpu.memory_space<semaphore_mem>>) attributes {dimension_semantics = [#tpu.dimension_semantics<core_parallel>, #tpu.dimension_semantics<subcore_parallel>], iteration_bounds = array<i64: 2, 16>, scalar_prefetch = 0 : i64, scratch_operands = 3 : i64, tpu.core_type = #tpu.core_type<sc_vector_subcore>, window_params = [{transform_indices = #map}, {transform_indices = #map1}, {transform_indices = #map}]} {
    %mul3A = arith.constant 2 : i32
    %mul3A_0 = arith.muli %arg1, %mul3A : i32
    %add3A = arith.addi %mul3A_0, %arg0 : i32
    %scan3A = arith.constant 0 : i32
    %scan3A_1 = arith.constant 0 : i32
    %scan3A_2 = arith.constant 31 : i32
    %scan3A_3 = arith.addi %scan3A_1, %scan3A_2 : i32
    %scan3A_4 = arith.constant 1 : i32
    scf.for %scan3A_6 = %scan3A_1 to %scan3A_3 step %scan3A_4  : i32 {
      %mul3A_7 = arith.constant 32 : i32
      %mul3A_8 = arith.muli %scan3A_6, %mul3A_7 : i32
      %add3A_9 = arith.addi %mul3A_8, %add3A : i32
      %lt3A = arith.constant 961 : i32
      %lt3A_10 = arith.cmpi slt, %add3A_9, %lt3A : i32
      %convert_element_type3A = arith.extui %lt3A_10 : i1 to i32
      %cond3A = arith.constant 0 : i32
      %cond3A_11 = arith.cmpi ne, %convert_element_type3A, %cond3A : i32
      scf.if %cond3A_11 {
        %mul3A_12 = arith.constant 72 : i32
        %mul3A_13 = arith.muli %add3A_9, %mul3A_12 : i32
        "tpu.region"() ({
          %run_scoped3A = tpu.sem_alloc : memref<!tpu.dma_semaphore, #tpu.memory_space<semaphore_mem>>
          %dma_start3A_20 = tpu.memref_slice %arg3[%mul3A_13] : memref<69192xi32, #tpu.memory_space<hbm>> -> memref<72xi32, #tpu.memory_space<hbm>>
          %dma_start3A_21 = tpu.memref_slice %arg3[%mul3A_13] : memref<69192xi32, #tpu.memory_space<hbm>> -> memref<72xi32, #tpu.memory_space<hbm>>
          tpu.enqueue_dma source(%dma_start3A_21 : memref<72xi32, #tpu.memory_space<hbm>>) target(%arg5 : memref<72xi32, #tpu.memory_space<vmem>>) target_semaphore(%run_scoped3A : memref<!tpu.dma_semaphore, #tpu.memory_space<semaphore_mem>>)
          %dma_wait3A_22 = tpu.memref_slice %arg3[%mul3A_13] : memref<69192xi32, #tpu.memory_space<hbm>> -> memref<72xi32, #tpu.memory_space<hbm>>
          %dma_wait3A_23 = tpu.memref_slice %arg3[%mul3A_13] : memref<69192xi32, #tpu.memory_space<hbm>> -> memref<72xi32, #tpu.memory_space<hbm>>
          tpu.wait_dma2 semaphore(%run_scoped3A : memref<!tpu.dma_semaphore, #tpu.memory_space<semaphore_mem>>) src(%dma_wait3A_23 : memref<72xi32, #tpu.memory_space<hbm>>) dst(%arg5 : memref<72xi32, #tpu.memory_space<vmem>>)
          tpu.yield
        }) : () -> ()
        %dma_start3A = arith.constant 0 : i32
        %dma_start3A_14 = arith.constant 0 : i32
        %dma_start3A_15 = tpu.memref_slice %arg2[%dma_start3A, %dma_start3A_14] : memref<32768x512xf32, #tpu.memory_space<hbm>> -> memref<32768x512xf32, #tpu.memory_space<hbm>>
        tpu.enqueue_indirect_dma source(%dma_start3A_15 : memref<32768x512xf32, #tpu.memory_space<hbm>>) target(%arg6 : memref<72x512xf32, #tpu.memory_space<vmem>>) offsets(%arg5 : memref<72xi32, #tpu.memory_space<vmem>>) semaphore(%arg7 : memref<!tpu.dma_semaphore, #tpu.memory_space<semaphore_mem>>)
        %dma_wait3A = arith.constant 0 : i32
        %dma_wait3A_16 = arith.constant 0 : i32
        %dma_wait3A_17 = tpu.memref_slice %arg2[%dma_wait3A, %dma_wait3A_16] : memref<32768x512xf32, #tpu.memory_space<hbm>> -> memref<32768x512xf32, #tpu.memory_space<hbm>>
        tpu.wait_indirect_dma semaphore(%arg7 : memref<!tpu.dma_semaphore, #tpu.memory_space<semaphore_mem>>) src(%dma_wait3A_17 : memref<32768x512xf32, #tpu.memory_space<hbm>>) dst(%arg6 : memref<72x512xf32, #tpu.memory_space<vmem>>)
        %mul3A_18 = arith.constant 72 : i32
        %mul3A_19 = arith.muli %add3A_9, %mul3A_18 : i32
        "tpu.region"() ({
          %run_scoped3A = tpu.sem_alloc : memref<!tpu.dma_semaphore, #tpu.memory_space<semaphore_mem>>
          %dma_start3A_20 = arith.constant 0 : i32
          %dma_start3A_21 = tpu.memref_slice %arg4[%mul3A_19, %dma_start3A_20] : memref<69192x512xf32, #tpu.memory_space<hbm>> -> memref<72x512xf32, #tpu.memory_space<hbm>>
          %dma_start3A_22 = arith.constant 0 : i32
          %dma_start3A_23 = tpu.memref_slice %arg4[%mul3A_19, %dma_start3A_22] : memref<69192x512xf32, #tpu.memory_space<hbm>> -> memref<72x512xf32, #tpu.memory_space<hbm>>
          tpu.enqueue_dma source(%arg6 : memref<72x512xf32, #tpu.memory_space<vmem>>) target(%dma_start3A_23 : memref<72x512xf32, #tpu.memory_space<hbm>>) target_semaphore(%run_scoped3A : memref<!tpu.dma_semaphore, #tpu.memory_space<semaphore_mem>>)
          %dma_wait3A_24 = arith.constant 0 : i32
          %dma_wait3A_25 = tpu.memref_slice %arg4[%mul3A_19, %dma_wait3A_24] : memref<69192x512xf32, #tpu.memory_space<hbm>> -> memref<72x512xf32, #tpu.memory_space<hbm>>
          %dma_wait3A_26 = arith.constant 0 : i32
          %dma_wait3A_27 = tpu.memref_slice %arg4[%mul3A_19, %dma_wait3A_26] : memref<69192x512xf32, #tpu.memory_space<hbm>> -> memref<72x512xf32, #tpu.memory_space<hbm>>
          tpu.wait_dma2 semaphore(%run_scoped3A : memref<!tpu.dma_semaphore, #tpu.memory_space<semaphore_mem>>) src(%arg6 : memref<72x512xf32, #tpu.memory_space<vmem>>) dst(%dma_wait3A_27 : memref<72x512xf32, #tpu.memory_space<hbm>>)
          tpu.yield
        }) : () -> ()
      } else {
      }
    }
    %scan3A_5 = arith.constant 31 : i32
    return
  }
}

</mosaic_0001>

<sc_bundles>
// kernel: kernel.3.cloned.1.call-start
scs
__scs_entry_jumppad:
0x0: {  	(pc) =	sbr.rel $0x88, $3  }
0x1: {  	(tag) =	ssettag $0x0;
	lr =	simm.s32 $0x1  }
0x2: {  	[smem:$0x3FA0] =	sst lr;
	_ =	strace $0xD0000000  }
0x3: {  	_ = 	snop  }
0x4: {  	_ = 	snop  }
0x5: {  	_ = 	snop  }
0x6: {  	_ = 	snop  }
0x7: {  	_ = 	snop  }
__scs_overlays_trampoline_lowered:
0x8: {  	[smem:$0x3FAF] =	sst s0  }
0x9: {  	[smem:$0x3FB0] =	sst s1  }
0xa: {  	[smem:$0x3FB1] =	sst s2  }
0xb: {  	[smem:$0x3FB2] =	sst s3  }
0xc: {  	[smem:$0x3FB3] =	sst s4  }
0xd: {  	[smem:$0x3FB4] =	sst s5  }
0xe: {  	[smem:$0x3FB5] =	sst s6  }
0xf: {  	[smem:$0x3FB6] =	sst s7  }
0x10: {  	[smem:$0x3FB7] =	sst s8  }
0x11: {  	[smem:$0x3FB8] =	sst s9;
	s0 =	simm.s32 @!p0 $0x0  }
0x12: {  	s1 =	sld [smem:$0x3F9E];
	s0 =	simm.s32 @p0 $0x1  }
0x13: {  	[smem:$0x3FB9] =	sst s0;
	s0 =	simm.s32 @!p1 $0x0  }
0x14: {  	s2 =	sld [smem:$0x3F9D];
	s0 =	simm.s32 @p1 $0x1  }
0x15: {  	[smem:$0x3FBA] =	sst s0;
	s0 =	simm.s32 @!p2 $0x0  }
0x16: {  	s3 =	sld [smem:$0x3FDB];
	s0 =	simm.s32 @p2 $0x1  }
0x17: {  	s4 =	simm.s32 $0x1BF5;
	[smem:$0x3FBC] =	sst s0  }
0x18: {  	s0 =	sld [smem:$0x3F9F];
	_ =	swait.ge [sflag:s4], $0x0  }
0x19: {  	s7 =	sld [smem:$0x3FA0]  }
0x1a: {  	s8 =	sadd.s32 $0xFFFFE003, lr  }
0x1b: {  	s9 =	sadd.s32 $0xFFFFFEF7, lr;
	s5 =	simm.s32 $0xFFFFFFFF;
	p2 =	slt.u32 s8, $0xFFFFF086  }
0x1c: {  	p1 =	slt.u32 s9, $0xF7A;
	s5 =	simm.s32 @!p2 $0x0  }
0x1d: {  	s5 =	simm.s32 @p1 $0x1;
	p0 =	seq.s32 s7, s2  }
0x1e: {  	s7 =	smul.u32 @!p0 $0xF7A, s2;
	p2 =	seq.s32 @!p0 s5, $0x0  }
0x1f: {  	s9 =	smul.u32 $0xF7A, s1;
	s8 =	simm.s32 @!p0 $0x1BF5;
	p2 =	por !p2, p0  }
0x20: {  	[sflag:s8] =	ssyncset.s32 @!p0 $0xFFFFF086;
	s6 =	sadd.s32 @!p0 s3, s7;
	s7 =	simm.s32 @!p0 $0x108  }
0x21: {  	s3 =	sadd.s32 s3, s9;
	s6 =	sadd.s32 @!p0 $0x88, s6;
	s7 =	simm.s32 @p2 $0x1082  }
0x22: {  	[simem:s7], [sflag:s8] =	dma.local @!p0 [hbm:s6], $0xF7A  }
0x23: {  	s9 =	sor.u32 $0xD0000000, s2;
	s6 =	simm.s32 $0x108;
	_ =	swait.ge @!p0 [sflag:s8], $0x0  }
0x24: {  	s3 =	sadd.s32 $0x88, s3;
	s6 =	simm.s32 @!p1 $0x1082;
	[sflag:s4] =	ssyncset.s32 $0xFFFFF086  }
0x25: {  	[simem:s6], [sflag:s4] =	dma.local [hbm:s3], $0xF7A  }
0x26: {  	[smem:$0x3FA0] =	sst s1;
	(tag) =	ssettag s2;
	_ =	strace s9  }
0x27: {  	s1 =	sld [smem:$0x3FB0]  }
0x28: {  	s2 =	sld [smem:$0x3FB1]  }
0x29: {  	s4 =	sld [smem:$0x3FB3]  }
0x2a: {  	p0 =	seq.s32 s5, $0x0;
	s5 =	sld [smem:$0x3FB4]  }
0x2b: {  	s6 =	sld [smem:$0x3FB5]  }
0x2c: {  	s7 =	sld [smem:$0x3FB6]  }
0x2d: {  	s3 =	simm.s32 $0x108;
	s8 =	sld [smem:$0x3FB7]  }
0x2e: {  	s3 =	simm.s32 @!p0 $0x1082;
	s9 =	sld [smem:$0x3FB8]  }
0x2f: {  	lr =	sadd.s32 s0, s3;
	s0 =	sld [smem:$0x3FAF]  }
0x30: {  	s3 =	sld [smem:$0x3FB2]  }
0x31: {  	[smem:$0x3FBB] =	sst s10  }
0x32: {  	s10 =	sld [smem:$0x3FB9];
	_ =	sdelay $0x3  }
0x33: {  	p0 =	seq.s32 s10, $0x1;
	s10 =	sld [smem:$0x3FBB];
	_ =	sdelay $0x3  }
0x34: {  	[smem:$0x3FBB] =	sst s10  }
0x35: {  	s10 =	sld [smem:$0x3FBA];
	_ =	sdelay $0x3  }
0x36: {  	p1 =	seq.s32 s10, $0x1;
	s10 =	sld [smem:$0x3FBB];
	_ =	sdelay $0x3  }
0x37: {  	[smem:$0x3FBB] =	sst s10  }
0x38: {  	s10 =	sld [smem:$0x3FBC]  }
0x39: {  	_ = 	snop;
	(pc) =	sbr.ind lr, $3  }
0x3a: {  	_ = 	snop  }
0x3b: {  	_ = 	snop  }
0x3c: {  	p2 =	seq.s32 s10, $0x1;
	s10 =	sld [smem:$0x3FBB]  }
0x3d: {  	_ =	shalt  }
0x3e: {  	_ =	shalt  }
0x3f: {  	_ =	shalt  }
0x40: {  	_ =	shalt  }
0x41: {  	_ =	shalt  }
0x42: {  	_ =	shalt  }
0x43: {  	_ =	shalt  }
0x44: {  	_ =	shalt  }
0x45: {  	_ =	shalt  }
0x46: {  	_ =	shalt  }
0x47: {  	_ =	shalt  }
0x48: {  	_ =	shalt  }
0x49: {  	_ =	shalt  }
0x4a: {  	_ =	shalt  }
0x4b: {  	_ =	shalt  }
0x4c: {  	_ =	shalt  }
0x4d: {  	_ =	shalt  }
0x4e: {  	_ =	shalt  }
0x4f: {  	_ =	shalt  }
0x50: {  	_ =	shalt  }
0x51: {  	_ =	shalt  }
0x52: {  	_ =	shalt  }
0x53: {  	_ =	shalt  }
0x54: {  	_ =	shalt  }
0x55: {  	_ =	shalt  }
0x56: {  	_ =	shalt  }
0x57: {  	_ =	shalt  }
0x58: {  	_ =	shalt  }
0x59: {  	_ =	shalt  }
0x5a: {  	_ =	shalt  }
0x5b: {  	_ =	shalt  }
0x5c: {  	_ =	shalt  }
0x5d: {  	_ =	shalt  }
0x5e: {  	_ =	shalt  }
0x5f: {  	_ =	shalt  }
0x60: {  	_ =	shalt  }
0x61: {  	_ =	shalt  }
0x62: {  	_ =	shalt  }
0x63: {  	_ =	shalt  }
0x64: {  	_ =	shalt  }
0x65: {  	_ =	shalt  }
0x66: {  	_ =	shalt  }
0x67: {  	_ =	shalt  }
0x68: {  	_ =	shalt  }
0x69: {  	_ =	shalt  }
0x6a: {  	_ =	shalt  }
0x6b: {  	_ =	shalt  }
0x6c: {  	_ =	shalt  }
0x6d: {  	_ =	shalt  }
0x6e: {  	_ =	shalt  }
0x6f: {  	_ =	shalt  }
0x70: {  	_ =	shalt  }
0x71: {  	_ =	shalt  }
0x72: {  	_ =	shalt  }
0x73: {  	_ =	shalt  }
0x74: {  	_ =	shalt  }
0x75: {  	_ =	shalt  }
0x76: {  	_ =	shalt  }
0x77: {  	_ =	shalt  }
0x78: {  	_ =	shalt  }
0x79: {  	_ =	shalt  }
0x7a: {  	_ =	shalt  }
0x7b: {  	_ =	shalt  }
0x7c: {  	_ =	shalt  }
0x7d: {  	_ =	shalt  }
0x7e: {  	_ =	shalt  }
0x7f: {  	_ =	shalt  }
0x80: {  	_ =	shalt  }
0x81: {  	_ =	shalt  }
0x82: {  	_ =	shalt  }
0x83: {  	_ =	shalt  }
0x84: {  	_ =	shalt  }
0x85: {  	_ =	shalt  }
0x86: {  	_ =	shalt  }
0x87: {  	_ =	shalt  }
.Lfunc_end0:
.L_simem_size_0:
called_computation.1_lowered:
.L_overlay_start_0:
0x88: {  	s2 =	sld [smem:$0x3FD9]  }
0x89: {  	s3 =	sld [smem:$0x3FFE];
	_ =	sdelay $0x1  }
0x8a: {  	s1 =	srdreg.scid  }
0x8b: {  	s0 =	sand.u32 $0x1, s1  }
0x8c: {  	s14 =	sshll.u32 s0, $0xA;
	s2 =	sadd.s32 s3, s2  }
0x8d: {  	s2 =	sadd.s32 s2, s14  }
0x8e: {  	[smem:$0x3FC7] =	sst s2  }
0x8f: {  	_ = 	snop  }
0x90: {  	s2 =	sld [smem:$0x3FD0];
	_ =	sdelay $0x2  }
0x91: {  	s15 =	simm.s32 $0xA;
	s4 =	simm.s32 $0x10  }
0x92: {  	[smem:s4], [sflag:s15] =	dma.local [hbm:s2], $0x1  }
0x93: {  	_ =	swait.eq [sflag:s15], $0x1  }
0x94: {  	[sflag:s15] =	ssyncset.done $0x0  }
0x95: {  	[sflag:s15] =	ssyncadd.s32 $0xFFFFFFFF  }
0x96: {  	s16 =	sld [smem:$0x10];
	(tm) =	ssettm $0x1  }
0x97: {  	s17 =	sld [smem:$0x3FFB];
	_ =	sdelay $0x3  }
0x98: {  	_ =	strace s17  }
0x99: {  	s3 =	sld [smem:$0x3FFC];
	_ =	sdelay $0x3  }
0x9a: {  	_ =	strace s3  }
0x9b: {  	s3 =	sld [smem:$0x3FFD];
	_ =	sdelay $0x3  }
0x9c: {  	_ =	strace s3  }
0x9d: {  	_ =	strace $0x8FFFFFFF  }
0x9e: {  	s18 =	sld [smem:$0x3FDB];
	_ =	sdelay $0x1  }
0x9f: {  	s19 =	simm.s32 $_scs_section_size  }
0xa0: {  	s5 =	simm.s32 $_size__tile_overlayer_lowered;
	s6 =	simm.s32 $_tile_overlayer_lowered  }
0xa1: {  	s22 =	simm.s32 $0x1BFF;
	s21 =	sshll.u32 s6, $0x1;
	s3 =	sadd.s32 s19, s18  }
0xa2: {  	s7 =	simm.s32 $0x0;
	s20 =	sshll.u32 s5, $0x1;
	s5 =	sadd.s32 s21, s3  }
0xa3: {  	[timem:s7], [sflag:s22] =	dma.local [hbm:s5], s20  }
0xa4: {  	_ =	swait.ge [sflag:s22], s20  }
0xa5: {  	s4 =	ssub.s32 $0x0, s20;
	[sflag:s22] =	ssyncset.done $0x0  }
0xa6: {  	[sflag:s22] =	ssyncadd.s32 s4;
	_ =	sdelay $0x1  }
0xa7: {  	s23 =	simm.s32 $0x1B8B  }
0xa8: {  	_ =	swait.ge [sflag:s23], $0x1  }
0xa9: {  	[sflag:s23] =	ssyncset.done $0x0  }
0xaa: {  	s25 =	simm.s32 $0x1B8E;
	s24 =	sld [smem:$0x3FFE];
	[sflag:s23] =	ssyncadd.s32 $0xFFFFFFFF  }
0xab: {  	s26 =	simm.s32 $execute0_lowered;
	[smem:$0x3FD2] =	sst s25  }
0xac: {  	s5 =	sshll.u32 s26, $0x1;
	_ =	strace $0x80000046;
	[dreg:$0x1] =	wrdreg $0xFFFFFFFF  }
0xad: {  	s28 =	simm.s32 $_size_execute0_lowered;
	s3 =	sadd.s32 s3, s5;
	[dreg:$0x0] =	wrdreg $0x0  }
0xae: {  	s5 =	sshll.u32 s28, $0x1;
	[dreg:$0x2] =	wrdreg s3  }
0xaf: {  	[dreg:$0x3] =	wrdreg s5  }
0xb0: {  	[dreg:$0x4] =	wrdreg $0xC0  }
0xb1: {  	_ =	task [dreg:s7], $0x5FFFF  }
0xb2: {  	[dreg:$0x1] =	wrdreg $0xFFFFFFFF  }
0xb3: {  	[dreg:$0x0] =	wrdreg $0x60  }
0xb4: {  	[dreg:$0x2] =	wrdreg s24  }
0xb5: {  	[dreg:$0x3] =	wrdreg s16  }
0xb6: {  	[dreg:$0x4] =	wrdreg $0x9  }
0xb7: {  	_ =	task.clear_ibuf [dreg:s7], $0x5FFFF;
	_ =	strace $0x90000046  }
0xb8: {  	s29 =	simm.s32 $0x9;
	_ =	strace $0x80000048  }
0xb9: {  	_ =	swait.ge [sflag:s29], $0x1  }
0xba: {  	[sflag:s29] =	ssyncadd.s32 $0xFFFFFFFF  }
0xbb: {  	_ =	strace $0x90000048  }
0xbc: {  	_ =	sfence  }
0xbd: {  	s30 =	sld [smem:$0x0];
	_ =	sdelay $0x2  }
0xbe: {  	s31 =	sshll.u32 s1, $0xD;
	s1 =	sshrl.u32 s1, $0x2  }
0xbf: {  	s3 =	sand.u32 $0x4000, s31;
	s1 =	sadd.s32 s1, s30  }
0xc0: {  	s0 =	sor.u32 s3, s0;
	s1 =	sshll.u32 s1, $0x11  }
0xc1: {  	s0 =	sor.u32 s1, s0  }
0xc2: {  	s0 =	sadd.s32 $0x8F2B, s0  }
0xc3: {  	[sflag:s0] =	ssyncadd.remote.s32 $0x1  }
0xc4: {  	_ =	sfence.sel $0xFFFF  }
0xc5: {  	[dreg:$0x0] =	wrdreg $0xFFFFFFFF;
	(pc) =	sbr.abs _section_cstart, $3  }
0xc6: {  	[dreg:$0x1] =	wrdreg $0xFFFFFFFF  }
0xc7: {  	_ =	task.clear_ibuf [dreg:s7], $0x2FFFF;
	_ =	strace $0x9FFFFFFF  }
0xc8: {  	(tm) =	ssettm $0x7FFFFFFF  }
0xc9: {  	_ =	shalt  }
tec
execute0_lowered:
.L_overlay_start_1:
0x0: {  	(tag) =	ssettag $0x1  }
0x1: {  	s0 =	rddreg [dreg:$0x0]  }
0x2: {  	s5 =	rddreg [dreg:$0x1]  }
0x3: {  	s2 =	simm.s32 $0x0;
	s10 =	stileid.u32;
	s1 =	srdreg.scid  }
0x4: {  	s11 =	simm.s32 $0x880;
	s12 =	simm.s32 $0x1080;
	s13 =	simm.s32 $0x1880  }
0x5: {  	s14 =	simm.s32 $0x2080;
	s15 =	simm.s32 $0x2880;
	s16 =	simm.s32 $0x3080  }
0x6: {  	s17 =	simm.s32 $0x3880;
	s18 =	simm.s32 $0x4080;
	s19 =	simm.s32 $0x4880  }
0x7: {  	s20 =	simm.s32 $0x5080;
	s21 =	simm.s32 $0x5880;
	s22 =	simm.s32 $0x6080  }
0x8: {  	s28 =	simm.s32 $0x8880;
	s29 =	simm.s32 $0x1;
	s30 =	simm.s32 $0x2  }
0x9: {  	[smem:$0x7FF] =	sst s2;
	s4 =	smul.u32 $0x12, s10;
	s6 =	sand.u32 $0x1, s1  }
0xa: {  	s3 =	sadd.s32 $0x200A00, s0;
	s9 =	sshll.u32 s10, $0x1;
	s10 =	smul.u32 $0x2400, s10  }
0xb: {  	s31 =	simm.s32 $0x0;
	_ =	strace $0x80000047;
	s8 =	smul.u32 $0x9, s6  }
0xc: {  	s1 =	ssub.s32 $0x2, s6;
	s25 =	smul.u32 $0x1200, s6;
	s7 =	sadd.s32 s4, s0  }
0xd: {  	s23 =	sshrl.u32 s1, $0x1;
	s4 =	sadd.s32 $0x200B00, s0;
	s26 =	sadd.s32 s10, s5  }
.Ltmp0:
0xe: {  	s10 =	simm.s32 $0x80;
	s1 =	ssub.s32 s1, s23;
	(pc) =	sbr.rel .LBB2_1-.Ltmp0, $4  }
0xf: {  	s24 =	sadd.s32 s8, s7;
	s8 =	sor.u32 s6, s9;
	s1 =	smax.u32 s1, $0x1  }
0x10: {  	v2 =	vlaneseq.u32;
	s9 =	simm.s32 $0x3;
	s0 =	sadd.s32 $0xA00, s24;
	[dreg:$0x3] =	wrdreg s1  }
0x11: {  	vm0 =	vmmov $0xffff;
	v1 =	vshrl.u32 v2, $0x3;
	s23 =	simm.s32 $0x6880;
	s24 =	simm.s32 $0x7080;
	[dreg:$0x4] =	wrdreg s0  }
0x12: {  	v0 =	vand.u32 $0x7, v2;
	v2 =	vor.u32 $0x8, v2;
	v1 =	vmul.u32 $0x8, v1;
	s0 =	sadd.s32 s25, s26;
	s25 =	simm.s32 $0x7880;
	s26 =	simm.s32 $0x8080  }
.LBB2_5:
0x13: {  	s31 =	sadd.s32 $0x1, s31;
	s1 =	rddreg [dreg:$0x3]  }
0x14: {  	p0 =	sne.s32 s31, s1  }
.Ltmp1:
0x15: {  	_ = 	snop;
	(pc) =	sbr.rel @!p0 .LBB2_6-.Ltmp1, $1  }
0x16: {  	_ =	sdelay $0x3  }
.LBB2_1:
.Ltmp2:
0x17: {  	(pc) =	sbr.rel .LBB2_2-.Ltmp2, $2  }
0x18: {  	_ =	sdelay $0x2  }
0x19: {  	s7 =	smov.u32 s0;
	s6 =	rddreg [dreg:$0x4];
	s5 =	simm.s32 $0x0  }
.LBB2_4:
0x1a: {  	s5 =	sadd.s32 $0x20, s5  }
0x1b: {  	p0 =	sne.s32 s5, $0x3E0  }
.Ltmp3:
0x1c: {  	_ = 	snop;
	(pc) =	sbr.rel @!p0 .LBB2_5-.Ltmp3, $2  }
0x1d: {  	_ =	sdelay $0x2  }
0x1e: {  	s6 =	sadd.s32 $0x120, s6;
	s7 =	sadd.s32 $0x24000, s7  }
.LBB2_2:
0x1f: {  	s1 =	sadd.s32 s5, s8  }
0x20: {  	p0 =	sgt.u32 s1, $0x3C0  }
.Ltmp4:
0x21: {  	_ = 	snop;
	(pc) =	sbr.rel @p0 .LBB2_4-.Ltmp4, $1  }
0x22: {  	_ =	sdelay $0x3  }
0x23: {  	[tilespmem:s2], [sflag:$0x3] =	stream.linear.gather [hbm4b:s6+s2], $0x48, $0x38;
	[tilespmem:$0x9080] =	vst v63  }
0x24: {  	_ =	swait.ge [sflag:s9], $0x48  }
0x25: {  	[sflag:s9] =	ssyncset.done $0x0  }
0x26: {  	[sflag:s9] =	ssyncadd.s32 $0xFFFFFFB8  }
0x27: {  	v3 =	vld [tilespmem:$0x0];
	_ =	sdelay $0x4  }
0x28: {  	v4 =	vshll.u32 v3, $0x2  }
0x29: {  	v3 =	vand.u32 $0x7, v3;
	v4 =	vand.u32 $0xFFFFFFE0, v4  }
0x2a: {  	v3 =	vor.u32 v3, v4  }
0x2b: {  	v4 =	vperm.xlane v3, v0;
	_ =	sdelay $0x1  }
0x2c: {  	v4 =	vadd.s32 v1, v4;
	_ =	sdelay $0x1  }
0x2d: {  	v3 =	vperm.xlane v3, v2;
	_ =	sdelay $0x1  }
0x2e: {  	v3 =	vadd.s32 v1, v3  }
0x2f: {  	[tilespmem:s10], [sflag:$0x1] =	stream.indirect_vreg.gather [hbm4b:s3+s2], $0x80, v4, vm0, $0xb8;
	[tilespmem:$0x9080] =	vst v63  }
0x30: {  	_ = 	snop  }
0x31: {  	[tilespmem:s11], [sflag:$0x1] =	stream.indirect_vreg.gather [hbm4b:s4+s2], $0x80, v4, vm0, $0xb8;
	[tilespmem:$0x9080] =	vst v63  }
0x32: {  	_ = 	snop  }
0x33: {  	[tilespmem:s12], [sflag:$0x1] =	stream.indirect_vreg.gather [hbm4b:s3+s2], $0x80, v3, vm0, $0xb8;
	[tilespmem:$0x9080] =	vst v63  }
0x34: {  	_ = 	snop  }
0x35: {  	[tilespmem:s13], [sflag:$0x1] =	stream.indirect_vreg.gather [hbm4b:s4+s2], $0x80, v3, vm0, $0xb8;
	[tilespmem:$0x9080] =	vst v63  }
0x36: {  	v3 =	vld [tilespmem:$0x10];
	_ =	sdelay $0x4  }
0x37: {  	v60 =	vshll.u32 v3, $0x2  }
0x38: {  	v3 =	vand.u32 $0x7, v3;
	v4 =	vand.u32 $0xFFFFFFE0, v60  }
0x39: {  	v3 =	vor.u32 v3, v4  }
0x3a: {  	v4 =	vperm.xlane v3, v0;
	_ =	sdelay $0x1  }
0x3b: {  	v4 =	vadd.s32 v1, v4;
	_ =	sdelay $0x1  }
0x3c: {  	v3 =	vperm.xlane v3, v2;
	_ =	sdelay $0x1  }
0x3d: {  	v3 =	vadd.s32 v1, v3  }
0x3e: {  	[tilespmem:s14], [sflag:$0x1] =	stream.indirect_vreg.gather [hbm4b:s3+s2], $0x80, v4, vm0, $0xb8;
	[tilespmem:$0x9080] =	vst v63  }
0x3f: {  	_ = 	snop  }
0x40: {  	[tilespmem:s15], [sflag:$0x1] =	stream.indirect_vreg.gather [hbm4b:s4+s2], $0x80, v4, vm0, $0xb8;
	[tilespmem:$0x9080] =	vst v63  }
0x41: {  	_ = 	snop  }
0x42: {  	[tilespmem:s16], [sflag:$0x1] =	stream.indirect_vreg.gather [hbm4b:s3+s2], $0x80, v3, vm0, $0xb8;
	[tilespmem:$0x9080] =	vst v63  }
0x43: {  	_ = 	snop  }
0x44: {  	[tilespmem:s17], [sflag:$0x1] =	stream.indirect_vreg.gather [hbm4b:s4+s2], $0x80, v3, vm0, $0xb8;
	[tilespmem:$0x9080] =	vst v63  }
0x45: {  	v3 =	vld [tilespmem:$0x20];
	_ =	sdelay $0x4  }
0x46: {  	v61 =	vshll.u32 v3, $0x2  }
0x47: {  	v3 =	vand.u32 $0x7, v3;
	v4 =	vand.u32 $0xFFFFFFE0, v61  }
0x48: {  	v3 =	vor.u32 v3, v4  }
0x49: {  	v4 =	vperm.xlane v3, v0;
	_ =	sdelay $0x1  }
0x4a: {  	v4 =	vadd.s32 v1, v4;
	_ =	sdelay $0x1  }
0x4b: {  	v3 =	vperm.xlane v3, v2;
	_ =	sdelay $0x1  }
0x4c: {  	v3 =	vadd.s32 v1, v3  }
0x4d: {  	[tilespmem:s18], [sflag:$0x1] =	stream.indirect_vreg.gather [hbm4b:s3+s2], $0x80, v4, vm0, $0xb8;
	[tilespmem:$0x9080] =	vst v63  }
0x4e: {  	_ = 	snop  }
0x4f: {  	[tilespmem:s19], [sflag:$0x1] =	stream.indirect_vreg.gather [hbm4b:s4+s2], $0x80, v4, vm0, $0xb8;
	[tilespmem:$0x9080] =	vst v63  }
0x50: {  	_ = 	snop  }
0x51: {  	[tilespmem:s20], [sflag:$0x1] =	stream.indirect_vreg.gather [hbm4b:s3+s2], $0x80, v3, vm0, $0xb8;
	[tilespmem:$0x9080] =	vst v63  }
0x52: {  	_ = 	snop  }
0x53: {  	[tilespmem:s21], [sflag:$0x1] =	stream.indirect_vreg.gather [hbm4b:s4+s2], $0x80, v3, vm0, $0xb8;
	[tilespmem:$0x9080] =	vst v63  }
0x54: {  	v3 =	vld [tilespmem:$0x30];
	_ =	sdelay $0x4  }
0x55: {  	v62 =	vshll.u32 v3, $0x2  }
0x56: {  	v3 =	vand.u32 $0x7, v3;
	v4 =	vand.u32 $0xFFFFFFE0, v62  }
0x57: {  	v3 =	vor.u32 v3, v4  }
0x58: {  	v4 =	vperm.xlane v3, v0;
	_ =	sdelay $0x1  }
0x59: {  	v4 =	vadd.s32 v1, v4;
	_ =	sdelay $0x1  }
0x5a: {  	v3 =	vperm.xlane v3, v2;
	_ =	sdelay $0x1  }
0x5b: {  	v3 =	vadd.s32 v1, v3  }
0x5c: {  	[tilespmem:s22], [sflag:$0x1] =	stream.indirect_vreg.gather [hbm4b:s3+s2], $0x80, v4, vm0, $0xb8;
	[tilespmem:$0x9080] =	vst v63  }
0x5d: {  	_ = 	snop  }
0x5e: {  	[tilespmem:s23], [sflag:$0x1] =	stream.indirect_vreg.gather [hbm4b:s4+s2], $0x80, v4, vm0, $0xb8;
	[tilespmem:$0x9080] =	vst v63  }
0x5f: {  	_ = 	snop  }
0x60: {  	[tilespmem:s24], [sflag:$0x1] =	stream.indirect_vreg.gather [hbm4b:s3+s2], $0x80, v3, vm0, $0xb8;
	[tilespmem:$0x9080] =	vst v63  }
0x61: {  	_ = 	snop  }
0x62: {  	[tilespmem:s25], [sflag:$0x1] =	stream.indirect_vreg.gather [hbm4b:s4+s2], $0x80, v3, vm0, $0xb8;
	[tilespmem:$0x9080] =	vst v63  }
0x63: {  	v3 =	vld.msk [tilespmem:$0x40], $0xff;
	_ =	sdelay $0x4  }
0x64: {  	v63 =	vshll.u32 v3, $0x2  }
0x65: {  	v3 =	vand.u32 $0x7, v3;
	v4 =	vand.u32 $0xFFFFFFE0, v63  }
0x66: {  	v3 =	vor.u32 v3, v4  }
0x67: {  	v3 =	vperm.xlane v3, v0;
	_ =	sdelay $0x1  }
0x68: {  	v3 =	vadd.s32 v1, v3;
	_ =	sdelay $0x4  }
0x69: {  	[tilespmem:s26], [sflag:$0x1] =	stream.indirect_vreg.gather [hbm4b:s3+s2], $0x80, v3, vm0, $0xb8;
	[tilespmem:$0x9080] =	vst v63  }
0x6a: {  	_ = 	snop  }
0x6b: {  	[tilespmem:s28], [sflag:$0x1] =	stream.indirect_vreg.gather [hbm4b:s4+s2], $0x80, v3, vm0, $0xb8;
	[tilespmem:$0x9080] =	vst v63  }
0x6c: {  	_ =	swait.ge [sflag:s29], $0x9000  }
0x6d: {  	[sflag:s29] =	ssyncset.done $0x0  }
.Ltmp5:
0x6e: {  	[sflag:s29] =	ssyncadd.s32 $0xFFFF7000;
	(pc) =	sbr.rel .LBB2_4-.Ltmp5, $4  }
0x6f: {  	[hbm4b:s7+s2] =	stream.linear.scatter [tilespmem:s10], [sflag:$0x2], $0x9000, $0x38;
	[tilespmem:$0x9080] =	vst v63  }
0x70: {  	_ =	swait.ge [sflag:s30], $0x9000  }
0x71: {  	[sflag:s30] =	ssyncset.done $0x0  }
0x72: {  	[sflag:s30] =	ssyncadd.s32 $0xFFFF7000  }
.LBB2_6:
0x73: {  	_ =	sfence.sel $0x180000  }
0x74: {  	[bflag:$0x0] =	sbarrier.arrive $0xFFFF  }
0x75: {  	_ =	strace $0x90000047  }
0x76: {  	s0 =	stileid.u32;
	[bflag:$0x2] =	sbarrier.arrive $0xFFFF  }
0x77: {  	p0 =	sne.s32 s0, $0x0;
	s0 =	rddreg [dreg:$0x2]  }
0x78: {  	s0 =	sadd.s32 @!p0 $0x100000, s0  }
0x79: {  	[sflag:s0] =	ssyncadd.tile.s32 @!p0 $0x1;
	_ =	shalt  }
.Lfunc_end2:
_tile_overlayer_lowered:
.L_overlay_start_2:
0x7a: {  	(tag) =	ssettag $0x2  }
0x7b: {  	s0 =	rddreg [dreg:$0x0];
	s2 =	stileid.u32  }
0x7c: {  	s1 =	rddreg [dreg:$0x1];
	p0 =	sne.s32 s2, $0x0  }
0x7d: {  	s3 =	rddreg [dreg:$0x2];
	[bflag:$0x3] =	sbarrier.arrive $0xFFFF;
	s2 =	simm.s32 @!p0 $0x1C02  }
0x7e: {  	[timem:s3], [sflag:s2] =	dma.local @!p0 [hbm:s0], s1  }
0x7f: {  	s0 =	simm.s32 @!p0 $0x2  }
0x80: {  	_ =	swait.ge @!p0 [sflag:s0], s1  }
0x81: {  	s1 =	ssub.s32 @!p0 $0x0, s1;
	[sflag:s0] =	ssyncset.done @!p0 $0x0  }
0x82: {  	[sflag:s0] =	ssyncadd.s32 @!p0 s1  }
0x83: {  	[bflag:$0x3] =	sbarrier.arrive $0xFFFF  }
0x84: {  	_ =	shalt  }

// kernel: sparse-core-data-format-call.cloned.1.call-start
scs
called_computation_lowered:
.L_overlay_start_0:
0x0: {  	s2 =	sld [smem:$0x3FD9]  }
0x1: {  	s3 =	sld [smem:$0x3FFE];
	_ =	sdelay $0x1  }
0x2: {  	s1 =	srdreg.scid  }
0x3: {  	s0 =	sand.u32 $0x1, s1  }
0x4: {  	s15 =	sshll.u32 s0, $0xA;
	s2 =	sadd.s32 s3, s2  }
0x5: {  	s2 =	sadd.s32 s2, s15  }
0x6: {  	[smem:$0x3FC7] =	sst s2  }
0x7: {  	_ = 	snop  }
0x8: {  	s2 =	sld [smem:$0x3FD0];
	_ =	sdelay $0x2  }
0x9: {  	s16 =	simm.s32 $0xA;
	s4 =	simm.s32 $0x10  }
0xa: {  	[smem:s4], [sflag:s16] =	dma.local [hbm:s2], $0x1  }
0xb: {  	_ =	swait.eq [sflag:s16], $0x1  }
0xc: {  	[sflag:s16] =	ssyncset.done $0x0  }
0xd: {  	[sflag:s16] =	ssyncadd.s32 $0xFFFFFFFF  }
0xe: {  	s17 =	sld [smem:$0x10];
	(tm) =	ssettm $0x1  }
0xf: {  	s18 =	sld [smem:$0x3FFB];
	_ =	sdelay $0x3  }
0x10: {  	_ =	strace s18  }
0x11: {  	s3 =	sld [smem:$0x3FFC];
	_ =	sdelay $0x3  }
0x12: {  	_ =	strace s3  }
0x13: {  	s3 =	sld [smem:$0x3FFD];
	_ =	sdelay $0x3  }
0x14: {  	_ =	strace s3  }
0x15: {  	_ =	strace $0x8FFFFFFF  }
0x16: {  	s19 =	sld [smem:$0x3FDB];
	_ =	sdelay $0x1  }
0x17: {  	s20 =	simm.s32 $_scs_section_size  }
0x18: {  	s5 =	simm.s32 $_size__tile_overlayer_lowered;
	s6 =	simm.s32 $_tile_overlayer_lowered  }
0x19: {  	s23 =	simm.s32 $0x1BFF;
	s22 =	sshll.u32 s6, $0x1;
	s3 =	sadd.s32 s20, s19  }
0x1a: {  	s7 =	simm.s32 $0x0;
	s21 =	sshll.u32 s5, $0x1;
	s5 =	sadd.s32 s22, s3  }
0x1b: {  	[timem:s7], [sflag:s23] =	dma.local [hbm:s5], s21  }
0x1c: {  	_ =	swait.ge [sflag:s23], s21  }
0x1d: {  	s4 =	ssub.s32 $0x0, s21;
	[sflag:s23] =	ssyncset.done $0x0  }
0x1e: {  	[sflag:s23] =	ssyncadd.s32 s4;
	_ =	sdelay $0x1  }
0x1f: {  	s24 =	simm.s32 $0x1B8B  }
0x20: {  	_ =	swait.ge [sflag:s24], $0x1  }
0x21: {  	[sflag:s24] =	ssyncset.done $0x0  }
0x22: {  	s26 =	simm.s32 $0x1B8E;
	s25 =	sld [smem:$0x3FFE];
	[sflag:s24] =	ssyncadd.s32 $0xFFFFFFFF  }
0x23: {  	s27 =	simm.s32 $execute0_lowered;
	[smem:$0x3FD2] =	sst s26  }
0x24: {  	s5 =	sshll.u32 s27, $0x1;
	_ =	strace $0x80000049;
	[dreg:$0x1] =	wrdreg $0xFFFFFFFF  }
0x25: {  	s28 =	simm.s32 $_size_execute0_lowered;
	s3 =	sadd.s32 s3, s5;
	[dreg:$0x0] =	wrdreg $0x0  }
0x26: {  	s5 =	sshll.u32 s28, $0x1;
	[dreg:$0x2] =	wrdreg s3  }
0x27: {  	[dreg:$0x3] =	wrdreg s5  }
0x28: {  	[dreg:$0x4] =	wrdreg $0xC0  }
0x29: {  	_ =	task [dreg:s7], $0x5FFFF  }
0x2a: {  	[dreg:$0x1] =	wrdreg $0xFFFFFFFF  }
0x2b: {  	[dreg:$0x0] =	wrdreg $0x60  }
0x2c: {  	[dreg:$0x2] =	wrdreg s25  }
0x2d: {  	[dreg:$0x3] =	wrdreg s17  }
0x2e: {  	[dreg:$0x4] =	wrdreg $0x9  }
0x2f: {  	_ =	task.clear_ibuf [dreg:s7], $0x5FFFF;
	_ =	strace $0x90000049  }
0x30: {  	s29 =	simm.s32 $0x9;
	_ =	strace $0x8000004B  }
0x31: {  	_ =	swait.ge [sflag:s29], $0x1  }
0x32: {  	[sflag:s29] =	ssyncadd.s32 $0xFFFFFFFF  }
0x33: {  	_ =	strace $0x9000004B  }
0x34: {  	_ =	sfence  }
0x35: {  	s30 =	sld [smem:$0x0];
	_ =	sdelay $0x2  }
0x36: {  	s31 =	sshll.u32 s1, $0xD;
	s1 =	sshrl.u32 s1, $0x2  }
0x37: {  	s3 =	sand.u32 $0x4000, s31;
	s1 =	sadd.s32 s1, s30  }
0x38: {  	s0 =	sor.u32 s3, s0;
	s1 =	sshll.u32 s1, $0x11  }
0x39: {  	s0 =	sor.u32 s1, s0  }
0x3a: {  	s0 =	sadd.s32 $0x8F2B, s0  }
0x3b: {  	[sflag:s0] =	ssyncadd.remote.s32 $0x1  }
0x3c: {  	_ =	sfence.sel $0xFFFF  }
0x3d: {  	[dreg:$0x0] =	wrdreg $0xFFFFFFFF;
	(pc) =	sbr.abs _section_cstart, $3  }
0x3e: {  	[dreg:$0x1] =	wrdreg $0xFFFFFFFF  }
0x3f: {  	_ =	task.clear_ibuf [dreg:s7], $0x2FFFF;
	_ =	strace $0x9FFFFFFF  }
0x40: {  	(tm) =	ssettm $0x7FFFFFFF  }
0x41: {  	_ =	shalt  }
tec
execute0_lowered:
.L_overlay_start_1:
0x0: {  	(tag) =	ssettag $0x1  }
0x1: {  	s0 =	srdreg.scid;
	s6 =	rddreg [dreg:$0x0]  }
0x2: {  	s3 =	rddreg [dreg:$0x1];
	s7 =	simm.s32 $0x2;
	s1 =	sshll.u32 s0, $0x4  }
0x3: {  	s13 =	simm.s32 $0x0;
	s0 =	stileid.u32;
	s1 =	sand.u32 $0x10, s1  }
0x4: {  	p0 =	por $0x0, $0x0;
	s8 =	simm.s32 $0x11800;
	s2 =	sor.u32 s0, s1  }
.Ltmp0:
0x5: {  	s12 =	simm.s32 $0x0;
	s4 =	ssub.s32 $0x117, s2;
	(pc) =	sbr.rel .LBB1_1-.Ltmp0, $4  }
0x6: {  	s9 =	simm.s32 $0x0;
	s1 =	rddreg [dreg:$0x2];
	s5 =	sshrl.u32 s4, $0x5  }
0x7: {  	_ =	strace $0x8000004A;
	s4 =	simm.s32 $0x1;
	s5 =	smul.u32 $0x46, s5  }
0x8: {  	s11 =	simm.s32 $0x0;
	s6 =	sadd.s32 $0xA00, s6;
	[sflag:s4] =	ssyncpa.u1 $0x0  }
0x9: {  	s10 =	smov.u32 s2;
	[sflag:s7] =	ssyncpa.u1 $0x0;
	s7 =	sor.u32 $0x1, s5  }
.LBB1_4:
0xa: {  	s16 =	sshll.u32 s13, $0x3  }
0xb: {  	s16 =	sand.u32 $0xFFFFFC00, s16  }
0xc: {  	s17 =	sshrl.u32 s16, $0x8  }
0xd: {  	s17 =	smulhi.u32 $0x7507508, s17;
	_ =	sdelay $0x1  }
0xe: {  	s27 =	sand.u32 $0x7F, s13;
	s18 =	smul.u32 $0x2300, s17  }
0xf: {  	[tilespmem:s14+$0xFFFFFFFC ss:$0x81] =	vst.msk $0xffff, v4;
	s12 =	smul.u32 $0x4600, s12;
	s13 =	sor.u32 s27, s16;
	s28 =	sand.u32 $0xF, s17  }
0x10: {  	[tilespmem:s14+$0xFFFFFFFD ss:$0x81] =	vst.msk $0xffff, v2;
	s16 =	smul.u32 $0x460, s28;
	s13 =	ssub.s32 s13, s18  }
0x11: {  	[tilespmem:s14+$0xFFFFFFFE ss:$0x81] =	vst.msk $0xffff, v0;
	s12 =	sadd.s32 s3, s12;
	s29 =	sand.u32 $0x7, s13  }
0x12: {  	[tilespmem:s14+$0xFFFFFFFF ss:$0x81] =	vst.msk $0xffff, v3;
	s12 =	sadd.s32 s16, s12;
	s13 =	sshrl.u32 s13, $0x3;
	s30 =	sshll.u32 s29, $0x12  }
0x13: {  	[tilespmem:s14+$0xFFFFFFF9 ss:$0x81] =	vst.msk $0xffff, v1;
	s12 =	sadd.s32 s13, s12;
	s31 =	sor.u32 $0x400, s30  }
0x14: {  	[hbm4b:s12+s31] =	stream.strided.scatter [tilespmem:s15], [sflag:$0x2], $0x800, s8, s31, $0x20;
	[tilespmem:$0x2020] =	vst v63  }
.LBB1_5:
0x15: {  	s14 =	sadd.s32 $0x80, s9  }
0x16: {  	s12 =	sadd.s32 $0x20, s10;
	s16 =	smov.u32 s10;
	p2 =	sgt.s32 s14, $0x22DF  }
0x17: {  	s16 =	smov.u32 @p2 s12  }
0x18: {  	s14 =	simm.s32 @p2 $0x0;
	p2 =	sgt.s32 s16, $0xF7  }
0x19: {  	s16 =	smov.u32 @p2 s2;
	p2 =	sne.s32 s11, s7  }
.Ltmp1:
0x1a: {  	p1 =	slt.u32 s11, $0x2;
	(pc) =	sbr.rel @!p2 .LBB1_6-.Ltmp1, $4  }
0x1b: {  	s15 =	simm.s32 @!p1 $0x2  }
0x1c: {  	s13 =	smov.u32 s9;
	p0 =	por !p0, !p0;
	_ =	swait.ge @!p1 [sflag:s15], $0x800  }
0x1d: {  	s12 =	smov.u32 s10;
	[sflag:s15] =	ssyncset.done @!p1 $0x0;
	s9 =	smov.u32 s14  }
0x1e: {  	s11 =	sadd.s32 $0x1, s11;
	[sflag:s15] =	ssyncadd.s32 @!p1 $0xFFFFF800;
	s10 =	smov.u32 s16  }
.LBB1_1:
0x1f: {  	p1 =	sge.u32 s11, s5  }
0x20: {  	s16 =	smov.u32 s10;
	s18 =	smov.u32 s9;
	p2 =	sgt.s32 @!p1 s10, $0xF7  }
0x21: {  	s14 =	sand.u32 @!p1 $0x1FFFFFF, s9;
	s17 =	sshra.s32 @!p1 s10, $0x1F;
	p2 =	por !p2, p1  }
0x22: {  	s19 =	sshra.s32 @!p1 s9, $0x1F;
	s16 =	simm.s32 @p2 $0xF7;
	p2 =	sgt.s32 @!p1 s9, $0x2260  }
0x23: {  	s15 =	smulhi.u32 @!p1 $0x3AB9591, s14;
	s17 =	sand.u32 @!p1 s17, s10;
	p2 =	por !p2, p1  }
0x24: {  	s16 =	ssub.s32 @!p1 s16, s17;
	s17 =	sand.u32 @!p1 s19, s9;
	s18 =	simm.s32 @p2 $0x2260  }
0x25: {  	s16 =	sadd.s32 @!p1 $0xFFFFFF09, s16;
	s17 =	ssub.s32 @!p1 s18, s17  }
0x26: {  	s15 =	sshrl.u32 @!p1 s15, $0x7;
	p2 =	sgt.s32 @!p1 s16, $0x0;
	s18 =	sadd.s32 @!p1 $0xFFFFDDA0, s17  }
0x27: {  	s16 =	sshll.u32 @!p1 s16, $0x4;
	s17 =	ssub.s32 @!p1 $0x22E0, s17;
	p3 =	sgt.s32 @!p1 s18, $0x7F  }
0x28: {  	s16 =	ssub.s32 @!p1 $0x10, s16;
	p2 =	por !p2, p1;
	p3 =	por !p3, p1  }
0x29: {  	s15 =	smul.u32 @!p1 $0x22E0, s15;
	s16 =	simm.s32 @!p2 $0x0;
	s17 =	simm.s32 @!p3 $0x0  }
0x2a: {  	s18 =	sxor.u32 @!p1 $0xFFFFFFFF, s11;
	s16 =	smul.u32 @!p1 s17, s16  }
0x2b: {  	s14 =	ssub.s32 @!p1 s14, s15;
	s17 =	sshll.u32 @!p1 s18, $0xB;
	s18 =	smul.u32 @!p1 $0x22E00, s10  }
0x2c: {  	s31 =	sadd.s32 $0xFFFFFFFF, s11;
	s14 =	sshll.u32 @!p1 s14, $0x4  }
0x2d: {  	s17 =	sand.u32 @!p1 $0x800, s17;
	s15 =	sand.u32 @!p1 $0x3FFFFFF0, s16;
	s16 =	sadd.s32 @!p1 s6, s18  }
0x2e: {  	s18 =	simm.s32 @!p1 $0x80;
	s14 =	sadd.s32 @!p1 s14, s16;
	s16 =	simm.s32 @!p1 $0x10  }
0x2f: {  	[tilespmem:s17], [sflag:$0x1] =	stream.strided.gather @!p1 [hbm4b:s14+s16], s15, s18, s16, $0x38;
	[tilespmem:$0x2020] =	vst v63  }
0x30: {  	p1 =	sge.u32 s31, s5  }
.Ltmp2:
0x31: {  	_ = 	snop;
	(pc) =	sbr.rel @p1 .LBB1_5-.Ltmp2, $1  }
0x32: {  	_ =	sdelay $0x3  }
0x33: {  	p1 =	sgt.s32 s12, $0xF7;
	s14 =	smov.u32 s12  }
0x34: {  	s15 =	sshra.s32 s12, $0x1F;
	s16 =	smov.u32 s13;
	s17 =	sshra.s32 s13, $0x1F  }
0x35: {  	s14 =	simm.s32 @!p1 $0xF7;
	s15 =	sand.u32 s15, s12;
	p1 =	sgt.s32 s13, $0x2260  }
0x36: {  	s27 =	sand.u32 s17, s13;
	s14 =	ssub.s32 s14, s15;
	s16 =	simm.s32 @!p1 $0x2260  }
0x37: {  	s14 =	sadd.s32 $0xFFFFFF09, s14;
	s15 =	ssub.s32 s16, s27  }
0x38: {  	p1 =	sgt.s32 s14, $0x0;
	s16 =	sadd.s32 $0xFFFFDDA0, s15;
	s14 =	sshll.u32 s14, $0x4  }
0x39: {  	s15 =	ssub.s32 $0x22E0, s15;
	p2 =	sgt.s32 s16, $0x7F;
	s14 =	ssub.s32 $0x10, s14  }
0x3a: {  	s15 =	simm.s32 @p2 $0x0;
	s14 =	simm.s32 @p1 $0x0  }
0x3b: {  	s14 =	smul.u32 s15, s14;
	_ =	sdelay $0x1  }
0x3c: {  	s15 =	simm.s32 $0x1;
	s14 =	sand.u32 $0x3FFFFFF0, s14  }
0x3d: {  	s15 =	simm.s32 @!p0 $0x0;
	_ =	swait.ge [sflag:s4], s14  }
0x3e: {  	s28 =	sshll.u32 s15, $0xB;
	s14 =	ssub.s32 $0x0, s14;
	[sflag:s4] =	ssyncset.done $0x0  }
0x3f: {  	s29 =	sor.u32 $0x40, s28;
	[sflag:s4] =	ssyncadd.s32 s14  }
0x40: {  	v1 =	vld [tilespmem:s29+$0x30]  }
0x41: {  	s30 =	smul.u32 $0x2040, s15;
	v3 =	vld [tilespmem:s29+$0xFFFFFFD0]  }
0x42: {  	v5 =	vld [tilespmem:s29+$0xFFFFFFE0]  }
0x43: {  	s31 =	sand.u32 $0x1, s11;
	s14 =	sshrl.u32 s30, $0x2;
	v4 =	vld [tilespmem:s29+$0xFFFFFFF0]  }
0x44: {  	s15 =	smul.u32 $0x2040, s31;
	s14 =	sor.u32 $0x1007, s14;
	v2 =	vld [tilespmem:s29+$0x0]  }
0x45: {  	v0 =	vld [tilespmem:s29+$0x10];
	[tilespmem:s14+$0x0 ss:$0x81] =	vst.msk $0xffff, v1  }
0x46: {  	s15 =	sshrl.u32 s15, $0x2;
	[tilespmem:s14+$0xFFFFFFFA ss:$0x81] =	vst.msk $0xffff, v3;
	v3 =	vld [tilespmem:s29+$0x20]  }
0x47: {  	s16 =	simm.s32 $0x0;
	s17 =	sadd.s32 $0x80, s29;
	s15 =	sor.u32 $0x1000, s15;
	v1 =	vld [tilespmem:s29+$0xFFFFFFC0];
	[tilespmem:s14+$0xFFFFFFFB ss:$0x81] =	vst.msk $0xffff, v5  }
.LBB1_3:
0x48: {  	v5 =	vld [tilespmem:s17+$0x30];
	s16 =	sadd.s32 $0x8, s16;
	[tilespmem:s14+$0xFFFFFFFC ss:$0x81] =	vst.msk $0xffff, v4  }
0x49: {  	v6 =	vld [tilespmem:s17+$0xFFFFFFD0];
	p1 =	slt.u32 s16, $0x78;
	[tilespmem:s14+$0xFFFFFFFD ss:$0x81] =	vst.msk $0xffff, v2  }
0x4a: {  	v7 =	vld [tilespmem:s17+$0xFFFFFFE0];
	[tilespmem:s14+$0xFFFFFFFE ss:$0x81] =	vst.msk $0xffff, v0  }
.Ltmp3:
0x4b: {  	v4 =	vld [tilespmem:s17+$0xFFFFFFF0];
	[tilespmem:s14+$0xFFFFFFFF ss:$0x81] =	vst.msk $0xffff, v3;
	(pc) =	sbr.rel @p1 .LBB1_3-.Ltmp3, $4  }
0x4c: {  	v2 =	vld [tilespmem:s17+$0x0];
	[tilespmem:s14+$0xFFFFFFF9 ss:$0x81] =	vst.msk $0xffff, v1;
	s14 =	sadd.s32 $0x8, s14  }
0x4d: {  	v0 =	vld [tilespmem:s17+$0x10];
	[tilespmem:s14+$0x0 ss:$0x81] =	vst.msk $0xffff, v5  }
0x4e: {  	[tilespmem:s14+$0xFFFFFFFA ss:$0x81] =	vst.msk $0xffff, v6;
	v3 =	vld [tilespmem:s17+$0x20]  }
0x4f: {  	v1 =	vld [tilespmem:s17+$0xFFFFFFC0];
	[tilespmem:s14+$0xFFFFFFFB ss:$0x81] =	vst.msk $0xffff, v7;
	s17 =	sadd.s32 $0x80, s17  }
.Ltmp4:
0x50: {  	_ = 	snop;
	(pc) =	sbr.rel .LBB1_4-.Ltmp4, $1  }
0x51: {  	_ =	sdelay $0x3  }
.LBB1_6:
0x52: {  	_ =	sfence.sel $0x180000  }
0x53: {  	s2 =	simm.s32 $0x1;
	[bflag:$0x0] =	sbarrier.arrive $0xFFFF  }
0x54: {  	s31 =	simm.s32 $0x2;
	[sflag:s2] =	ssyncpa.u1 $0x1  }
0x55: {  	[sflag:s31] =	ssyncpa.u1 $0x1  }
0x56: {  	p0 =	sne.s32 s0, $0x0;
	_ =	strace $0x9000004A  }
0x57: {  	s0 =	sadd.s32 @!p0 $0x100000, s1;
	[bflag:$0x2] =	sbarrier.arrive $0xFFFF  }
0x58: {  	[sflag:s0] =	ssyncadd.tile.s32 @!p0 $0x1;
	_ =	shalt  }
.Lfunc_end1:
_tile_overlayer_lowered:
.L_overlay_start_2:
0x59: {  	(tag) =	ssettag $0x2  }
0x5a: {  	s0 =	rddreg [dreg:$0x0];
	s2 =	stileid.u32  }
0x5b: {  	s1 =	rddreg [dreg:$0x1];
	p0 =	sne.s32 s2, $0x0  }
0x5c: {  	s3 =	rddreg [dreg:$0x2];
	[bflag:$0x3] =	sbarrier.arrive $0xFFFF;
	s2 =	simm.s32 @!p0 $0x1C01  }
0x5d: {  	[timem:s3], [sflag:s2] =	dma.local @!p0 [hbm:s0], s1  }
0x5e: {  	s0 =	simm.s32 @!p0 $0x1  }
0x5f: {  	_ =	swait.ge @!p0 [sflag:s0], s1  }
0x60: {  	s1 =	ssub.s32 @!p0 $0x0, s1;
	[sflag:s0] =	ssyncset.done @!p0 $0x0  }
0x61: {  	[sflag:s0] =	ssyncadd.s32 @!p0 s1  }
0x62: {  	[bflag:$0x3] =	sbarrier.arrive $0xFFFF  }
0x63: {  	_ =	shalt  }

</sc_bundles>
